<compile_context>
chip_gen: v7x
topology: tpu7x:2x2x1
jax: 0.10.2.dev20260603
libtpu: 0.0.44.dev20260713+nightly
codegen_flags: <defaults>
</compile_context>

<pallas_src>
import functools

import jax
import jax.numpy as jnp
from jax import lax
from jax.experimental import pallas as pl
from jax.experimental.pallas import tpu as pltpu
from jax.experimental.pallas import tpu_sc as plsc

N_NODES = 10000
N_EDGES = 320000
D = 128
HD = D // 2

NC = 2
NS = 16
EDGES_PER_TILE = N_EDGES // NS
EB = 125
NB = EDGES_PER_TILE // EB
NP = 10240
ROWS_PER_TILE = NP // NS
CW = 16


def _sc_segment_sum(h2, src3, dst3, zrows, zcnt, ones1):
    mesh = plsc.VectorSubcoreMesh(
        core_axis_name="c", subcore_axis_name="s", num_cores=NC, num_subcores=NS
    )

    @functools.partial(
        pl.kernel,
        mesh=mesh,
        compiler_params=pltpu.CompilerParams(use_tc_tiling_on_sc=False),
        out_type=[
            jax.ShapeDtypeStruct((NC, NP, HD), jnp.bfloat16),
            jax.ShapeDtypeStruct((NC, NP, CW), jnp.float32),
        ],
        scratch_types=[
            pltpu.VMEM((NB, EB), jnp.int32),
            pltpu.VMEM((NB, EB), jnp.int32),
            pltpu.VMEM((3, EB, HD), jnp.bfloat16),
            pltpu.VMEM((EB, CW), jnp.float32),
            pltpu.SemaphoreType.DMA,
            pltpu.SemaphoreType.DMA,
            pltpu.SemaphoreType.DMA,
            pltpu.VMEM_SHARED((NP, HD), jnp.bfloat16),
            pltpu.VMEM_SHARED((NP, CW), jnp.float32),
        ],
    )
    def k(h_hbm, src_hbm, dst_hbm, zrows_hbm, zcnt_hbm, ones_hbm,
          acc_out, cnt_out, src_v, dst_v, rows_v, ones_v, sem_g, sem_s, sem_c,
          acc_sh, cnt_sh):
        cid = lax.axis_index("c")
        sid = lax.axis_index("s")

        pltpu.sync_copy(src_hbm.at[sid], src_v)
        pltpu.sync_copy(dst_hbm.at[sid], dst_v)
        pltpu.sync_copy(ones_hbm, ones_v)

        r0 = sid * ROWS_PER_TILE
        pltpu.sync_copy(zrows_hbm, acc_sh.at[pl.ds(r0, ROWS_PER_TILE)])
        pltpu.sync_copy(zcnt_hbm, cnt_sh.at[pl.ds(r0, ROWS_PER_TILE)])
        plsc.subcore_barrier()

        hc = h_hbm.at[cid]

        pltpu.async_copy(hc.at[src_v.at[0]], rows_v.at[0], sem_g)

        def body(j, carry):
            a = lax.rem(j, 3)

            @pl.when(j >= 2)
            def _():
                pltpu.make_async_copy(zrows_hbm.at[pl.ds(0, EB)], rows_v.at[a],
                                      sem_s).wait()

            @pl.when(j < NB - 1)
            def _():
                pltpu.async_copy(hc.at[src_v.at[j + 1]],
                                 rows_v.at[lax.rem(j + 1, 3)], sem_g)

            pltpu.make_async_copy(hc.at[src_v.at[j]], rows_v.at[a],
                                  sem_g).wait()
            pltpu.async_copy(rows_v.at[a], acc_sh.at[dst_v.at[j]], sem_s,
                             add=True)

            @pl.when(lax.rem(j, 2) == cid)
            def _():
                pltpu.async_copy(ones_v, cnt_sh.at[dst_v.at[j]], sem_c,
                                 add=True)

            return carry

        lax.fori_loop(0, NB, body, 0)

        pltpu.make_async_copy(zrows_hbm.at[pl.ds(0, EB)], rows_v.at[0],
                              sem_s).wait()
        pltpu.make_async_copy(zrows_hbm.at[pl.ds(0, EB)], rows_v.at[1],
                              sem_s).wait()

        def drain_counts(j, carry):
            pltpu.make_async_copy(ones_hbm, ones_v, sem_c).wait()
            return carry

        lax.fori_loop(0, NB // 2, drain_counts, 0)
        plsc.subcore_barrier()

        pltpu.sync_copy(acc_sh.at[pl.ds(r0, ROWS_PER_TILE)],
                        acc_out.at[cid, pl.ds(r0, ROWS_PER_TILE)])
        pltpu.sync_copy(cnt_sh.at[pl.ds(r0, ROWS_PER_TILE)],
                        cnt_out.at[cid, pl.ds(r0, ROWS_PER_TILE)])

    return k(h2, src3, dst3, zrows, zcnt, ones1)


def _tc_split(h):
    R = 2000

    def body(h_ref, o_ref):
        o_ref[0] = h_ref[:, 0:HD].astype(jnp.bfloat16)
        o_ref[1] = h_ref[:, HD:D].astype(jnp.bfloat16)

    return pl.pallas_call(
        body,
        grid=(N_NODES // R,),
        in_specs=[pl.BlockSpec((R, D), lambda i: (i, 0))],
        out_specs=pl.BlockSpec((NC, R, HD), lambda i: (0, i, 0)),
        out_shape=jax.ShapeDtypeStruct((NC, N_NODES, HD), jnp.bfloat16),
    )(h)


def _tc_apply(h, acc, cnt, wt, b2):
    R = 1000

    def body(h_ref, acc_ref, cnt_ref, wt_ref, b_ref, o_ref):
        hb = h_ref[...]
        deg = jnp.maximum(cnt_ref[0, :, 0:1] + cnt_ref[1, :, 0:1], 1.0)
        c0 = acc_ref[0].astype(jnp.float32) / deg
        c1 = acc_ref[1].astype(jnp.float32) / deg
        z = (
            jnp.dot(hb, wt_ref[0:D, :], preferred_element_type=jnp.float32)
            + jnp.dot(c0, wt_ref[D:D + HD, :], preferred_element_type=jnp.float32)
            + jnp.dot(c1, wt_ref[D + HD:2 * D, :],
                      preferred_element_type=jnp.float32)
            + b_ref[...]
        )
        n = jnp.sqrt(jnp.sum(z * z, axis=1, keepdims=True))
        z = z / jnp.maximum(n, 1e-12)
        o_ref[...] = hb + jnp.maximum(z, 0.0)

    return pl.pallas_call(
        body,
        grid=(N_NODES // R,),
        in_specs=[
            pl.BlockSpec((R, D), lambda i: (i, 0)),
            pl.BlockSpec((NC, R, HD), lambda i: (0, i, 0)),
            pl.BlockSpec((NC, R, CW), lambda i: (0, i, 0)),
            pl.BlockSpec((2 * D, D), lambda i: (0, 0)),
            pl.BlockSpec((1, D), lambda i: (0, 0)),
        ],
        out_specs=pl.BlockSpec((R, D), lambda i: (i, 0)),
        out_shape=jax.ShapeDtypeStruct((N_NODES, D), jnp.float32),
    )(h, acc, cnt, wt, b2)


@jax.jit
def kernel(h, edge_index, W, b):
    ei = edge_index.astype(jnp.int32)
    src3 = ei[0].reshape(NS, NB, EB)
    dst3 = ei[1].reshape(NS, NB, EB)
    h2 = _tc_split(h)
    zrows = jnp.zeros((ROWS_PER_TILE, HD), jnp.bfloat16)
    zcnt = jnp.zeros((ROWS_PER_TILE, CW), jnp.float32)
    ones1 = jnp.ones((EB, CW), jnp.float32)
    acc, cnt = _sc_segment_sum(h2, src3, dst3, zrows, zcnt, ones1)
    wt = W.T
    b2 = b.reshape(1, D)
    return _tc_apply(h, acc, cnt, wt, b2)

# --- scband reference (transcript-rebuilt; emitter-appended) ---
"""Pipeline reference for scband-graph-sage-layer-16381005267618 (READ-ONLY COPY).

The authoritative reference and input builder live on the scoring server;
editing this copy changes nothing except your own understanding.
"""

import jax, jax.numpy as jnp
import numpy as np

N_NODES = 10000
N_EDGES = 320000
D_IN = 128
D_OUT = 128


def setup_inputs(seed: int = 0) -> dict:
    key = jax.random.key(seed)
    k1, k2, k3, k4 = jax.random.split(key, 4)
    h = jax.random.normal(k1, (N_NODES, D_IN), dtype=jnp.float32)
    edge_index = jax.random.randint(k2, (2, N_EDGES), 0, N_NODES, dtype=jnp.int64)
    # NodeApply linear: Linear(2*in_feats, out_feats) -> W [out, 2*in], b [out]
    W = jax.random.normal(k3, (D_OUT, 2 * D_IN), dtype=jnp.float32) * 0.05
    b = jax.random.normal(k4, (D_OUT,), dtype=jnp.float32) * 0.05
    return {"h": h, "edge_index": edge_index, "W": W, "b": b}


def reference(h, edge_index, W, b):
    # GraphSageLayer (dgl_builtin=False, mean aggregator, dropout=0, activation=None,
    # batch_norm=None, residual=True)
    h_in = h
    src = edge_index[0]
    dst = edge_index[1]
    # mean aggregation of incoming neighbor features: c[v] = mean_{(u,v) in E} h[u]
    msgs = jnp.take(h, src, axis=0)
    summed = jax.ops.segment_sum(msgs, dst, num_segments=N_NODES)
    ones = jnp.ones((src.shape[0],), dtype=h.dtype)
    counts = jax.ops.segment_sum(ones, dst, num_segments=N_NODES)
    c = summed / jnp.maximum(counts, 1.0)[:, None]
    # NodeApply: linear(concat(h, c)) then L2 normalize (F.normalize p=2 dim=1)
    bundle = jnp.concatenate([h, c], axis=1)
    bundle = bundle @ W.T + b
    norm = jnp.sqrt(jnp.sum(bundle * bundle, axis=1, keepdims=True))
    bundle = bundle / jnp.maximum(norm, 1e-12)
    out = jax.nn.relu(bundle)
    out = h_in + out  # residual (in_feats == out_feats)
    return out

if __name__ == "__main__":
    import jax
    _d = setup_inputs()
    print(jax.jit(kernel)(*tuple(_d.values())))

</pallas_src>

<mosaic_0001>
#map = affine_map<(d0, d1) -> (0, 0, 0)>
#map1 = affine_map<(d0, d1) -> (0, 0)>
module attributes {stable_mosaic.version = 14 : i64} {
  func.func @k(%arg0: i32, %arg1: i32, %arg2: memref<2x10000x64xbf16, #tpu.memory_space<hbm>>, %arg3: memref<16x160x125xi32, #tpu.memory_space<hbm>>, %arg4: memref<16x160x125xi32, #tpu.memory_space<hbm>>, %arg5: memref<640x64xbf16, #tpu.memory_space<hbm>>, %arg6: memref<640x16xf32, #tpu.memory_space<hbm>>, %arg7: memref<125x16xf32, #tpu.memory_space<hbm>>, %arg8: memref<2x10240x64xbf16, #tpu.memory_space<hbm>>, %arg9: memref<2x10240x16xf32, #tpu.memory_space<hbm>>, %arg10: memref<160x125xi32, #tpu.memory_space<vmem>>, %arg11: memref<160x125xi32, #tpu.memory_space<vmem>>, %arg12: memref<3x125x64xbf16, #tpu.memory_space<vmem>>, %arg13: memref<125x16xf32, #tpu.memory_space<vmem>>, %arg14: memref<!tpu.dma_semaphore, #tpu.memory_space<semaphore_mem>>, %arg15: memref<!tpu.dma_semaphore, #tpu.memory_space<semaphore_mem>>, %arg16: memref<!tpu.dma_semaphore, #tpu.memory_space<semaphore_mem>>, %arg17: memref<10240x64xbf16, #tpu.memory_space<vmem_shared>>, %arg18: memref<10240x16xf32, #tpu.memory_space<vmem_shared>>) attributes {dimension_semantics = [#tpu.dimension_semantics<core_parallel>, #tpu.dimension_semantics<subcore_parallel>], iteration_bounds = array<i64: 2, 16>, scalar_prefetch = 0 : i64, scratch_operands = 9 : i64, tpu.core_type = #tpu.core_type<sc_vector_subcore>, window_params = [{transform_indices = #map}, {transform_indices = #map}, {transform_indices = #map}, {transform_indices = #map1}, {transform_indices = #map1}, {transform_indices = #map1}, {transform_indices = #map}, {transform_indices = #map}]} {
    "tpu.region"() ({
      %run_scoped3A = tpu.sem_alloc : memref<!tpu.dma_semaphore, #tpu.memory_space<semaphore_mem>>
      %dma_start3A_57 = arith.constant 0 : i32
      %dma_start3A_58 = arith.constant 0 : i32
      %dma_start3A_59 = tpu.memref_slice %arg3[%arg1, %dma_start3A_57, %dma_start3A_58] : memref<16x160x125xi32, #tpu.memory_space<hbm>> -> memref<1x160x125xi32, #tpu.memory_space<hbm>>
      %dma_start3A_60 = tpu.memref_squeeze %dma_start3A_59 : memref<1x160x125xi32, #tpu.memory_space<hbm>> -> memref<160x125xi32, #tpu.memory_space<hbm>>
      %dma_start3A_61 = arith.constant 0 : i32
      %dma_start3A_62 = arith.constant 0 : i32
      %dma_start3A_63 = tpu.memref_slice %arg3[%arg1, %dma_start3A_61, %dma_start3A_62] : memref<16x160x125xi32, #tpu.memory_space<hbm>> -> memref<1x160x125xi32, #tpu.memory_space<hbm>>
      %dma_start3A_64 = tpu.memref_squeeze %dma_start3A_63 : memref<1x160x125xi32, #tpu.memory_space<hbm>> -> memref<160x125xi32, #tpu.memory_space<hbm>>
      tpu.enqueue_dma source(%dma_start3A_64 : memref<160x125xi32, #tpu.memory_space<hbm>>) target(%arg10 : memref<160x125xi32, #tpu.memory_space<vmem>>) target_semaphore(%run_scoped3A : memref<!tpu.dma_semaphore, #tpu.memory_space<semaphore_mem>>)
      %dma_wait3A_65 = arith.constant 0 : i32
      %dma_wait3A_66 = arith.constant 0 : i32
      %dma_wait3A_67 = tpu.memref_slice %arg3[%arg1, %dma_wait3A_65, %dma_wait3A_66] : memref<16x160x125xi32, #tpu.memory_space<hbm>> -> memref<1x160x125xi32, #tpu.memory_space<hbm>>
      %dma_wait3A_68 = tpu.memref_squeeze %dma_wait3A_67 : memref<1x160x125xi32, #tpu.memory_space<hbm>> -> memref<160x125xi32, #tpu.memory_space<hbm>>
      %dma_wait3A_69 = arith.constant 0 : i32
      %dma_wait3A_70 = arith.constant 0 : i32
      %dma_wait3A_71 = tpu.memref_slice %arg3[%arg1, %dma_wait3A_69, %dma_wait3A_70] : memref<16x160x125xi32, #tpu.memory_space<hbm>> -> memref<1x160x125xi32, #tpu.memory_space<hbm>>
      %dma_wait3A_72 = tpu.memref_squeeze %dma_wait3A_71 : memref<1x160x125xi32, #tpu.memory_space<hbm>> -> memref<160x125xi32, #tpu.memory_space<hbm>>
      tpu.wait_dma2 semaphore(%run_scoped3A : memref<!tpu.dma_semaphore, #tpu.memory_space<semaphore_mem>>) src(%dma_wait3A_72 : memref<160x125xi32, #tpu.memory_space<hbm>>) dst(%arg10 : memref<160x125xi32, #tpu.memory_space<vmem>>)
      tpu.yield
    }) : () -> ()
    "tpu.region"() ({
      %run_scoped3A = tpu.sem_alloc : memref<!tpu.dma_semaphore, #tpu.memory_space<semaphore_mem>>
      %dma_start3A_57 = arith.constant 0 : i32
      %dma_start3A_58 = arith.constant 0 : i32
      %dma_start3A_59 = tpu.memref_slice %arg4[%arg1, %dma_start3A_57, %dma_start3A_58] : memref<16x160x125xi32, #tpu.memory_space<hbm>> -> memref<1x160x125xi32, #tpu.memory_space<hbm>>
      %dma_start3A_60 = tpu.memref_squeeze %dma_start3A_59 : memref<1x160x125xi32, #tpu.memory_space<hbm>> -> memref<160x125xi32, #tpu.memory_space<hbm>>
      %dma_start3A_61 = arith.constant 0 : i32
      %dma_start3A_62 = arith.constant 0 : i32
      %dma_start3A_63 = tpu.memref_slice %arg4[%arg1, %dma_start3A_61, %dma_start3A_62] : memref<16x160x125xi32, #tpu.memory_space<hbm>> -> memref<1x160x125xi32, #tpu.memory_space<hbm>>
      %dma_start3A_64 = tpu.memref_squeeze %dma_start3A_63 : memref<1x160x125xi32, #tpu.memory_space<hbm>> -> memref<160x125xi32, #tpu.memory_space<hbm>>
      tpu.enqueue_dma source(%dma_start3A_64 : memref<160x125xi32, #tpu.memory_space<hbm>>) target(%arg11 : memref<160x125xi32, #tpu.memory_space<vmem>>) target_semaphore(%run_scoped3A : memref<!tpu.dma_semaphore, #tpu.memory_space<semaphore_mem>>)
      %dma_wait3A_65 = arith.constant 0 : i32
      %dma_wait3A_66 = arith.constant 0 : i32
      %dma_wait3A_67 = tpu.memref_slice %arg4[%arg1, %dma_wait3A_65, %dma_wait3A_66] : memref<16x160x125xi32, #tpu.memory_space<hbm>> -> memref<1x160x125xi32, #tpu.memory_space<hbm>>
      %dma_wait3A_68 = tpu.memref_squeeze %dma_wait3A_67 : memref<1x160x125xi32, #tpu.memory_space<hbm>> -> memref<160x125xi32, #tpu.memory_space<hbm>>
      %dma_wait3A_69 = arith.constant 0 : i32
      %dma_wait3A_70 = arith.constant 0 : i32
      %dma_wait3A_71 = tpu.memref_slice %arg4[%arg1, %dma_wait3A_69, %dma_wait3A_70] : memref<16x160x125xi32, #tpu.memory_space<hbm>> -> memref<1x160x125xi32, #tpu.memory_space<hbm>>
      %dma_wait3A_72 = tpu.memref_squeeze %dma_wait3A_71 : memref<1x160x125xi32, #tpu.memory_space<hbm>> -> memref<160x125xi32, #tpu.memory_space<hbm>>
      tpu.wait_dma2 semaphore(%run_scoped3A : memref<!tpu.dma_semaphore, #tpu.memory_space<semaphore_mem>>) src(%dma_wait3A_72 : memref<160x125xi32, #tpu.memory_space<hbm>>) dst(%arg11 : memref<160x125xi32, #tpu.memory_space<vmem>>)
      tpu.yield
    }) : () -> ()
    "tpu.region"() ({
      %run_scoped3A = tpu.sem_alloc : memref<!tpu.dma_semaphore, #tpu.memory_space<semaphore_mem>>
      tpu.enqueue_dma source(%arg7 : memref<125x16xf32, #tpu.memory_space<hbm>>) target(%arg13 : memref<125x16xf32, #tpu.memory_space<vmem>>) target_semaphore(%run_scoped3A : memref<!tpu.dma_semaphore, #tpu.memory_space<semaphore_mem>>)
      tpu.wait_dma2 semaphore(%run_scoped3A : memref<!tpu.dma_semaphore, #tpu.memory_space<semaphore_mem>>) src(%arg7 : memref<125x16xf32, #tpu.memory_space<hbm>>) dst(%arg13 : memref<125x16xf32, #tpu.memory_space<vmem>>)
      tpu.yield
    }) : () -> ()
    %mul3A = arith.constant 640 : i32
    %mul3A_0 = arith.muli %arg1, %mul3A : i32
    "tpu.region"() ({
      %run_scoped3A = tpu.sem_alloc : memref<!tpu.dma_semaphore, #tpu.memory_space<semaphore_mem>>
      %dma_start3A_57 = arith.constant 0 : i32
      %dma_start3A_58 = tpu.memref_slice %arg17[%mul3A_0, %dma_start3A_57] : memref<10240x64xbf16, #tpu.memory_space<vmem_shared>> -> memref<640x64xbf16, #tpu.memory_space<vmem_shared>>
      tpu.enqueue_dma source(%arg5 : memref<640x64xbf16, #tpu.memory_space<hbm>>) target(%dma_start3A_58 : memref<640x64xbf16, #tpu.memory_space<vmem_shared>>) target_semaphore(%run_scoped3A : memref<!tpu.dma_semaphore, #tpu.memory_space<semaphore_mem>>)
      %dma_wait3A_59 = arith.constant 0 : i32
      %dma_wait3A_60 = tpu.memref_slice %arg17[%mul3A_0, %dma_wait3A_59] : memref<10240x64xbf16, #tpu.memory_space<vmem_shared>> -> memref<640x64xbf16, #tpu.memory_space<vmem_shared>>
      tpu.wait_dma2 semaphore(%run_scoped3A : memref<!tpu.dma_semaphore, #tpu.memory_space<semaphore_mem>>) src(%arg5 : memref<640x64xbf16, #tpu.memory_space<hbm>>) dst(%dma_wait3A_60 : memref<640x64xbf16, #tpu.memory_space<vmem_shared>>)
      tpu.yield
    }) : () -> ()
    "tpu.region"() ({
      %run_scoped3A = tpu.sem_alloc : memref<!tpu.dma_semaphore, #tpu.memory_space<semaphore_mem>>
      %dma_start3A_57 = arith.constant 0 : i32
      %dma_start3A_58 = tpu.memref_slice %arg18[%mul3A_0, %dma_start3A_57] : memref<10240x16xf32, #tpu.memory_space<vmem_shared>> -> memref<640x16xf32, #tpu.memory_space<vmem_shared>>
      tpu.enqueue_dma source(%arg6 : memref<640x16xf32, #tpu.memory_space<hbm>>) target(%dma_start3A_58 : memref<640x16xf32, #tpu.memory_space<vmem_shared>>) target_semaphore(%run_scoped3A : memref<!tpu.dma_semaphore, #tpu.memory_space<semaphore_mem>>)
      %dma_wait3A_59 = arith.constant 0 : i32
      %dma_wait3A_60 = tpu.memref_slice %arg18[%mul3A_0, %dma_wait3A_59] : memref<10240x16xf32, #tpu.memory_space<vmem_shared>> -> memref<640x16xf32, #tpu.memory_space<vmem_shared>>
      tpu.wait_dma2 semaphore(%run_scoped3A : memref<!tpu.dma_semaphore, #tpu.memory_space<semaphore_mem>>) src(%arg6 : memref<640x16xf32, #tpu.memory_space<hbm>>) dst(%dma_wait3A_60 : memref<640x16xf32, #tpu.memory_space<vmem_shared>>)
      tpu.yield
    }) : () -> ()
    %barrier3A = arith.constant 0 : index
    tpu.barrier barrier_id(%barrier3A)
    %dma_start3A = arith.constant 0 : i32
    %dma_start3A_1 = arith.constant 0 : i32
    %dma_start3A_2 = arith.constant 0 : i32
    %dma_start3A_3 = arith.constant 0 : i32
    %dma_start3A_4 = tpu.memref_slice %arg12[%dma_start3A_1, %dma_start3A_2, %dma_start3A_3] : memref<3x125x64xbf16, #tpu.memory_space<vmem>> -> memref<1x125x64xbf16, #tpu.memory_space<vmem>>
    %dma_start3A_5 = tpu.memref_squeeze %dma_start3A_4 : memref<1x125x64xbf16, #tpu.memory_space<vmem>> -> memref<125x64xbf16, #tpu.memory_space<vmem>>
    %dma_start3A_6 = arith.constant 0 : i32
    %dma_start3A_7 = tpu.memref_slice %arg10[%dma_start3A, %dma_start3A_6] : memref<160x125xi32, #tpu.memory_space<vmem>> -> memref<1x125xi32, #tpu.memory_space<vmem>>
    %dma_start3A_8 = tpu.memref_squeeze %dma_start3A_7 : memref<1x125xi32, #tpu.memory_space<vmem>> -> memref<125xi32, #tpu.memory_space<vmem>>
    %dma_start3A_9 = arith.constant 0 : i32
    %dma_start3A_10 = arith.constant 0 : i32
    %dma_start3A_11 = tpu.memref_slice %arg2[%arg0, %dma_start3A_9, %dma_start3A_10] : memref<2x10000x64xbf16, #tpu.memory_space<hbm>> -> memref<1x10000x64xbf16, #tpu.memory_space<hbm>>
    %dma_start3A_12 = tpu.memref_squeeze %dma_start3A_11 : memref<1x10000x64xbf16, #tpu.memory_space<hbm>> -> memref<10000x64xbf16, #tpu.memory_space<hbm>>
    %dma_start3A_13 = arith.constant 0 : i32
    %dma_start3A_14 = arith.constant 0 : i32
    %dma_start3A_15 = tpu.memref_slice %dma_start3A_12[%dma_start3A_13, %dma_start3A_14] : memref<10000x64xbf16, #tpu.memory_space<hbm>> -> memref<10000x64xbf16, #tpu.memory_space<hbm>>
    tpu.enqueue_indirect_dma source(%dma_start3A_15 : memref<10000x64xbf16, #tpu.memory_space<hbm>>) target(%dma_start3A_5 : memref<125x64xbf16, #tpu.memory_space<vmem>>) offsets(%dma_start3A_8 : memref<125xi32, #tpu.memory_space<vmem>>) semaphore(%arg14 : memref<!tpu.dma_semaphore, #tpu.memory_space<semaphore_mem>>)
    %scan3A = arith.constant 0 : i32
    %scan3A_16 = arith.constant 0 : i32
    %scan3A_17 = arith.constant 160 : i32
    %scan3A_18 = arith.addi %scan3A_16, %scan3A_17 : i32
    %scan3A_19 = arith.constant 1 : i32
    scf.for %scan3A_57 = %scan3A_16 to %scan3A_18 step %scan3A_19  : i32 {
      %rem3A = arith.constant 3 : i32
      %rem3A_58 = arith.remsi %scan3A_57, %rem3A : i32
      %ge3A = arith.constant 2 : i32
      %ge3A_59 = arith.cmpi sge, %scan3A_57, %ge3A : i32
      %convert_element_type3A = arith.extui %ge3A_59 : i1 to i32
      %cond3A = arith.constant 0 : i32
      %cond3A_60 = arith.cmpi ne, %convert_element_type3A, %cond3A : i32
      scf.if %cond3A_60 {
        %dma_wait3A_94 = arith.constant 0 : i32
        %dma_wait3A_95 = arith.constant 0 : i32
        %dma_wait3A_96 = tpu.memref_slice %arg12[%rem3A_58, %dma_wait3A_94, %dma_wait3A_95] : memref<3x125x64xbf16, #tpu.memory_space<vmem>> -> memref<1x125x64xbf16, #tpu.memory_space<vmem>>
        %dma_wait3A_97 = tpu.memref_squeeze %dma_wait3A_96 : memref<1x125x64xbf16, #tpu.memory_space<vmem>> -> memref<125x64xbf16, #tpu.memory_space<vmem>>
        %dma_wait3A_98 = arith.constant 0 : i32
        %dma_wait3A_99 = arith.constant 0 : i32
        %dma_wait3A_100 = tpu.memref_slice %arg5[%dma_wait3A_98, %dma_wait3A_99] : memref<640x64xbf16, #tpu.memory_space<hbm>> -> memref<125x64xbf16, #tpu.memory_space<hbm>>
        %dma_wait3A_101 = arith.constant 0 : i32
        %dma_wait3A_102 = arith.constant 0 : i32
        %dma_wait3A_103 = tpu.memref_slice %arg12[%rem3A_58, %dma_wait3A_101, %dma_wait3A_102] : memref<3x125x64xbf16, #tpu.memory_space<vmem>> -> memref<1x125x64xbf16, #tpu.memory_space<vmem>>
        %dma_wait3A_104 = tpu.memref_squeeze %dma_wait3A_103 : memref<1x125x64xbf16, #tpu.memory_space<vmem>> -> memref<125x64xbf16, #tpu.memory_space<vmem>>
        %dma_wait3A_105 = arith.constant 0 : i32
        %dma_wait3A_106 = arith.constant 0 : i32
        %dma_wait3A_107 = tpu.memref_slice %arg5[%dma_wait3A_105, %dma_wait3A_106] : memref<640x64xbf16, #tpu.memory_space<hbm>> -> memref<125x64xbf16, #tpu.memory_space<hbm>>
        tpu.wait_dma2 semaphore(%arg15 : memref<!tpu.dma_semaphore, #tpu.memory_space<semaphore_mem>>) src(%dma_wait3A_107 : memref<125x64xbf16, #tpu.memory_space<hbm>>) dst(%dma_wait3A_104 : memref<125x64xbf16, #tpu.memory_space<vmem>>)
      } else {
      }
      %lt3A = arith.constant 159 : i32
      %lt3A_61 = arith.cmpi slt, %scan3A_57, %lt3A : i32
      %convert_element_type3A_62 = arith.extui %lt3A_61 : i1 to i32
      %cond3A_63 = arith.constant 0 : i32
      %cond3A_64 = arith.cmpi ne, %convert_element_type3A_62, %cond3A_63 : i32
      scf.if %cond3A_64 {
        %add3A = arith.constant 1 : i32
        %add3A_94 = arith.addi %scan3A_57, %add3A : i32
        %add3A_95 = arith.constant 1 : i32
        %add3A_96 = arith.addi %scan3A_57, %add3A_95 : i32
        %rem3A_97 = arith.constant 3 : i32
        %rem3A_98 = arith.remsi %add3A_96, %rem3A_97 : i32
        %dma_start3A_99 = arith.constant 0 : i32
        %dma_start3A_100 = arith.constant 0 : i32
        %dma_start3A_101 = tpu.memref_slice %arg12[%rem3A_98, %dma_start3A_99, %dma_start3A_100] : memref<3x125x64xbf16, #tpu.memory_space<vmem>> -> memref<1x125x64xbf16, #tpu.memory_space<vmem>>
        %dma_start3A_102 = tpu.memref_squeeze %dma_start3A_101 : memref<1x125x64xbf16, #tpu.memory_space<vmem>> -> memref<125x64xbf16, #tpu.memory_space<vmem>>
        %dma_start3A_103 = arith.constant 0 : i32
        %dma_start3A_104 = tpu.memref_slice %arg10[%add3A_94, %dma_start3A_103] : memref<160x125xi32, #tpu.memory_space<vmem>> -> memref<1x125xi32, #tpu.memory_space<vmem>>
        %dma_start3A_105 = tpu.memref_squeeze %dma_start3A_104 : memref<1x125xi32, #tpu.memory_space<vmem>> -> memref<125xi32, #tpu.memory_space<vmem>>
        %dma_start3A_106 = arith.constant 0 : i32
        %dma_start3A_107 = arith.constant 0 : i32
        %dma_start3A_108 = tpu.memref_slice %arg2[%arg0, %dma_start3A_106, %dma_start3A_107] : memref<2x10000x64xbf16, #tpu.memory_space<hbm>> -> memref<1x10000x64xbf16, #tpu.memory_space<hbm>>
        %dma_start3A_109 = tpu.memref_squeeze %dma_start3A_108 : memref<1x10000x64xbf16, #tpu.memory_space<hbm>> -> memref<10000x64xbf16, #tpu.memory_space<hbm>>
        %dma_start3A_110 = arith.constant 0 : i32
        %dma_start3A_111 = arith.constant 0 : i32
        %dma_start3A_112 = tpu.memref_slice %dma_start3A_109[%dma_start3A_110, %dma_start3A_111] : memref<10000x64xbf16, #tpu.memory_space<hbm>> -> memref<10000x64xbf16, #tpu.memory_space<hbm>>
        tpu.enqueue_indirect_dma source(%dma_start3A_112 : memref<10000x64xbf16, #tpu.memory_space<hbm>>) target(%dma_start3A_102 : memref<125x64xbf16, #tpu.memory_space<vmem>>) offsets(%dma_start3A_105 : memref<125xi32, #tpu.memory_space<vmem>>) semaphore(%arg14 : memref<!tpu.dma_semaphore, #tpu.memory_space<semaphore_mem>>)
      } else {
      }
      %dma_wait3A_65 = arith.constant 0 : i32
      %dma_wait3A_66 = arith.constant 0 : i32
      %dma_wait3A_67 = tpu.memref_slice %arg12[%rem3A_58, %dma_wait3A_65, %dma_wait3A_66] : memref<3x125x64xbf16, #tpu.memory_space<vmem>> -> memref<1x125x64xbf16, #tpu.memory_space<vmem>>
      %dma_wait3A_68 = tpu.memref_squeeze %dma_wait3A_67 : memref<1x125x64xbf16, #tpu.memory_space<vmem>> -> memref<125x64xbf16, #tpu.memory_space<vmem>>
      %dma_wait3A_69 = arith.constant 0 : i32
      %dma_wait3A_70 = tpu.memref_slice %arg10[%scan3A_57, %dma_wait3A_69] : memref<160x125xi32, #tpu.memory_space<vmem>> -> memref<1x125xi32, #tpu.memory_space<vmem>>
      %dma_wait3A_71 = tpu.memref_squeeze %dma_wait3A_70 : memref<1x125xi32, #tpu.memory_space<vmem>> -> memref<125xi32, #tpu.memory_space<vmem>>
      %dma_wait3A_72 = arith.constant 0 : i32
      %dma_wait3A_73 = arith.constant 0 : i32
      %dma_wait3A_74 = tpu.memref_slice %arg2[%arg0, %dma_wait3A_72, %dma_wait3A_73] : memref<2x10000x64xbf16, #tpu.memory_space<hbm>> -> memref<1x10000x64xbf16, #tpu.memory_space<hbm>>
      %dma_wait3A_75 = tpu.memref_squeeze %dma_wait3A_74 : memref<1x10000x64xbf16, #tpu.memory_space<hbm>> -> memref<10000x64xbf16, #tpu.memory_space<hbm>>
      %dma_wait3A_76 = arith.constant 0 : i32
      %dma_wait3A_77 = arith.constant 0 : i32
      %dma_wait3A_78 = tpu.memref_slice %dma_wait3A_75[%dma_wait3A_76, %dma_wait3A_77] : memref<10000x64xbf16, #tpu.memory_space<hbm>> -> memref<10000x64xbf16, #tpu.memory_space<hbm>>
      tpu.wait_indirect_dma semaphore(%arg14 : memref<!tpu.dma_semaphore, #tpu.memory_space<semaphore_mem>>) src(%dma_wait3A_78 : memref<10000x64xbf16, #tpu.memory_space<hbm>>) dst(%dma_wait3A_68 : memref<125x64xbf16, #tpu.memory_space<vmem>>)
      %dma_start3A_79 = arith.constant 0 : i32
      %dma_start3A_80 = arith.constant 0 : i32
      %dma_start3A_81 = tpu.memref_slice %arg12[%rem3A_58, %dma_start3A_79, %dma_start3A_80] : memref<3x125x64xbf16, #tpu.memory_space<vmem>> -> memref<1x125x64xbf16, #tpu.memory_space<vmem>>
      %dma_start3A_82 = tpu.memref_squeeze %dma_start3A_81 : memref<1x125x64xbf16, #tpu.memory_space<vmem>> -> memref<125x64xbf16, #tpu.memory_space<vmem>>
      %dma_start3A_83 = arith.constant 0 : i32
      %dma_start3A_84 = tpu.memref_slice %arg11[%scan3A_57, %dma_start3A_83] : memref<160x125xi32, #tpu.memory_space<vmem>> -> memref<1x125xi32, #tpu.memory_space<vmem>>
      %dma_start3A_85 = tpu.memref_squeeze %dma_start3A_84 : memref<1x125xi32, #tpu.memory_space<vmem>> -> memref<125xi32, #tpu.memory_space<vmem>>
      %dma_start3A_86 = arith.constant 0 : i32
      %dma_start3A_87 = arith.constant 0 : i32
      %dma_start3A_88 = tpu.memref_slice %arg17[%dma_start3A_86, %dma_start3A_87] : memref<10240x64xbf16, #tpu.memory_space<vmem_shared>> -> memref<10240x64xbf16, #tpu.memory_space<vmem_shared>>
      tpu.enqueue_indirect_dma source(%dma_start3A_82 : memref<125x64xbf16, #tpu.memory_space<vmem>>) target(%dma_start3A_88 : memref<10240x64xbf16, #tpu.memory_space<vmem_shared>>) offsets(%dma_start3A_85 : memref<125xi32, #tpu.memory_space<vmem>>) semaphore(%arg15 : memref<!tpu.dma_semaphore, #tpu.memory_space<semaphore_mem>>) {add = true}
      %rem3A_89 = arith.constant 2 : i32
      %rem3A_90 = arith.remsi %scan3A_57, %rem3A_89 : i32
      %eq3A = arith.cmpi eq, %rem3A_90, %arg0 : i32
      %convert_element_type3A_91 = arith.extui %eq3A : i1 to i32
      %cond3A_92 = arith.constant 0 : i32
      %cond3A_93 = arith.cmpi ne, %convert_element_type3A_91, %cond3A_92 : i32
      scf.if %cond3A_93 {
        %dma_start3A_94 = arith.constant 0 : i32
        %dma_start3A_95 = tpu.memref_slice %arg11[%scan3A_57, %dma_start3A_94] : memref<160x125xi32, #tpu.memory_space<vmem>> -> memref<1x125xi32, #tpu.memory_space<vmem>>
        %dma_start3A_96 = tpu.memref_squeeze %dma_start3A_95 : memref<1x125xi32, #tpu.memory_space<vmem>> -> memref<125xi32, #tpu.memory_space<vmem>>
        %dma_start3A_97 = arith.constant 0 : i32
        %dma_start3A_98 = arith.constant 0 : i32
        %dma_start3A_99 = tpu.memref_slice %arg18[%dma_start3A_97, %dma_start3A_98] : memref<10240x16xf32, #tpu.memory_space<vmem_shared>> -> memref<10240x16xf32, #tpu.memory_space<vmem_shared>>
        tpu.enqueue_indirect_dma source(%arg13 : memref<125x16xf32, #tpu.memory_space<vmem>>) target(%dma_start3A_99 : memref<10240x16xf32, #tpu.memory_space<vmem_shared>>) offsets(%dma_start3A_96 : memref<125xi32, #tpu.memory_space<vmem>>) semaphore(%arg16 : memref<!tpu.dma_semaphore, #tpu.memory_space<semaphore_mem>>) {add = true}
      } else {
      }
    }
    %scan3A_20 = arith.constant 160 : i32
    %dma_wait3A = arith.constant 0 : i32
    %dma_wait3A_21 = arith.constant 0 : i32
    %dma_wait3A_22 = arith.constant 0 : i32
    %dma_wait3A_23 = tpu.memref_slice %arg12[%dma_wait3A, %dma_wait3A_21, %dma_wait3A_22] : memref<3x125x64xbf16, #tpu.memory_space<vmem>> -> memref<1x125x64xbf16, #tpu.memory_space<vmem>>
    %dma_wait3A_24 = tpu.memref_squeeze %dma_wait3A_23 : memref<1x125x64xbf16, #tpu.memory_space<vmem>> -> memref<125x64xbf16, #tpu.memory_space<vmem>>
    %dma_wait3A_25 = arith.constant 0 : i32
    %dma_wait3A_26 = arith.constant 0 : i32
    %dma_wait3A_27 = tpu.memref_slice %arg5[%dma_wait3A_25, %dma_wait3A_26] : memref<640x64xbf16, #tpu.memory_space<hbm>> -> memref<125x64xbf16, #tpu.memory_space<hbm>>
    %dma_wait3A_28 = arith.constant 0 : i32
    %dma_wait3A_29 = arith.constant 0 : i32
    %dma_wait3A_30 = tpu.memref_slice %arg12[%dma_wait3A, %dma_wait3A_28, %dma_wait3A_29] : memref<3x125x64xbf16, #tpu.memory_space<vmem>> -> memref<1x125x64xbf16, #tpu.memory_space<vmem>>
    %dma_wait3A_31 = tpu.memref_squeeze %dma_wait3A_30 : memref<1x125x64xbf16, #tpu.memory_space<vmem>> -> memref<125x64xbf16, #tpu.memory_space<vmem>>
    %dma_wait3A_32 = arith.constant 0 : i32
    %dma_wait3A_33 = arith.constant 0 : i32
    %dma_wait3A_34 = tpu.memref_slice %arg5[%dma_wait3A_32, %dma_wait3A_33] : memref<640x64xbf16, #tpu.memory_space<hbm>> -> memref<125x64xbf16, #tpu.memory_space<hbm>>
    tpu.wait_dma2 semaphore(%arg15 : memref<!tpu.dma_semaphore, #tpu.memory_space<semaphore_mem>>) src(%dma_wait3A_34 : memref<125x64xbf16, #tpu.memory_space<hbm>>) dst(%dma_wait3A_31 : memref<125x64xbf16, #tpu.memory_space<vmem>>)
    %dma_wait3A_35 = arith.constant 1 : i32
    %dma_wait3A_36 = arith.constant 0 : i32
    %dma_wait3A_37 = arith.constant 0 : i32
    %dma_wait3A_38 = tpu.memref_slice %arg12[%dma_wait3A_35, %dma_wait3A_36, %dma_wait3A_37] : memref<3x125x64xbf16, #tpu.memory_space<vmem>> -> memref<1x125x64xbf16, #tpu.memory_space<vmem>>
    %dma_wait3A_39 = tpu.memref_squeeze %dma_wait3A_38 : memref<1x125x64xbf16, #tpu.memory_space<vmem>> -> memref<125x64xbf16, #tpu.memory_space<vmem>>
    %dma_wait3A_40 = arith.constant 0 : i32
    %dma_wait3A_41 = arith.constant 0 : i32
    %dma_wait3A_42 = tpu.memref_slice %arg5[%dma_wait3A_40, %dma_wait3A_41] : memref<640x64xbf16, #tpu.memory_space<hbm>> -> memref<125x64xbf16, #tpu.memory_space<hbm>>
    %dma_wait3A_43 = arith.constant 0 : i32
    %dma_wait3A_44 = arith.constant 0 : i32
    %dma_wait3A_45 = tpu.memref_slice %arg12[%dma_wait3A_35, %dma_wait3A_43, %dma_wait3A_44] : memref<3x125x64xbf16, #tpu.memory_space<vmem>> -> memref<1x125x64xbf16, #tpu.memory_space<vmem>>
    %dma_wait3A_46 = tpu.memref_squeeze %dma_wait3A_45 : memref<1x125x64xbf16, #tpu.memory_space<vmem>> -> memref<125x64xbf16, #tpu.memory_space<vmem>>
    %dma_wait3A_47 = arith.constant 0 : i32
    %dma_wait3A_48 = arith.constant 0 : i32
    %dma_wait3A_49 = tpu.memref_slice %arg5[%dma_wait3A_47, %dma_wait3A_48] : memref<640x64xbf16, #tpu.memory_space<hbm>> -> memref<125x64xbf16, #tpu.memory_space<hbm>>
    tpu.wait_dma2 semaphore(%arg15 : memref<!tpu.dma_semaphore, #tpu.memory_space<semaphore_mem>>) src(%dma_wait3A_49 : memref<125x64xbf16, #tpu.memory_space<hbm>>) dst(%dma_wait3A_46 : memref<125x64xbf16, #tpu.memory_space<vmem>>)
    %scan3A_50 = arith.constant 0 : i32
    %scan3A_51 = arith.constant 0 : i32
    %scan3A_52 = arith.constant 80 : i32
    %scan3A_53 = arith.addi %scan3A_51, %scan3A_52 : i32
    %scan3A_54 = arith.constant 1 : i32
    scf.for %scan3A_57 = %scan3A_51 to %scan3A_53 step %scan3A_54  : i32 {
      tpu.wait_dma2 semaphore(%arg16 : memref<!tpu.dma_semaphore, #tpu.memory_space<semaphore_mem>>) src(%arg7 : memref<125x16xf32, #tpu.memory_space<hbm>>) dst(%arg13 : memref<125x16xf32, #tpu.memory_space<vmem>>)
    }
    %scan3A_55 = arith.constant 80 : i32
    %barrier3A_56 = arith.constant 0 : index
    tpu.barrier barrier_id(%barrier3A_56)
    "tpu.region"() ({
      %run_scoped3A = tpu.sem_alloc : memref<!tpu.dma_semaphore, #tpu.memory_space<semaphore_mem>>
      %dma_start3A_57 = arith.constant 0 : i32
      %dma_start3A_58 = tpu.memref_slice %arg8[%arg0, %mul3A_0, %dma_start3A_57] : memref<2x10240x64xbf16, #tpu.memory_space<hbm>> -> memref<1x640x64xbf16, #tpu.memory_space<hbm>>
      %dma_start3A_59 = tpu.memref_squeeze %dma_start3A_58 : memref<1x640x64xbf16, #tpu.memory_space<hbm>> -> memref<640x64xbf16, #tpu.memory_space<hbm>>
      %dma_start3A_60 = arith.constant 0 : i32
      %dma_start3A_61 = tpu.memref_slice %arg17[%mul3A_0, %dma_start3A_60] : memref<10240x64xbf16, #tpu.memory_space<vmem_shared>> -> memref<640x64xbf16, #tpu.memory_space<vmem_shared>>
      tpu.enqueue_dma source(%dma_start3A_61 : memref<640x64xbf16, #tpu.memory_space<vmem_shared>>) target(%dma_start3A_59 : memref<640x64xbf16, #tpu.memory_space<hbm>>) target_semaphore(%run_scoped3A : memref<!tpu.dma_semaphore, #tpu.memory_space<semaphore_mem>>)
      %dma_wait3A_62 = arith.constant 0 : i32
      %dma_wait3A_63 = tpu.memref_slice %arg8[%arg0, %mul3A_0, %dma_wait3A_62] : memref<2x10240x64xbf16, #tpu.memory_space<hbm>> -> memref<1x640x64xbf16, #tpu.memory_space<hbm>>
      %dma_wait3A_64 = tpu.memref_squeeze %dma_wait3A_63 : memref<1x640x64xbf16, #tpu.memory_space<hbm>> -> memref<640x64xbf16, #tpu.memory_space<hbm>>
      %dma_wait3A_65 = arith.constant 0 : i32
      %dma_wait3A_66 = tpu.memref_slice %arg17[%mul3A_0, %dma_wait3A_65] : memref<10240x64xbf16, #tpu.memory_space<vmem_shared>> -> memref<640x64xbf16, #tpu.memory_space<vmem_shared>>
      tpu.wait_dma2 semaphore(%run_scoped3A : memref<!tpu.dma_semaphore, #tpu.memory_space<semaphore_mem>>) src(%dma_wait3A_66 : memref<640x64xbf16, #tpu.memory_space<vmem_shared>>) dst(%dma_wait3A_64 : memref<640x64xbf16, #tpu.memory_space<hbm>>)
      tpu.yield
    }) : () -> ()
    "tpu.region"() ({
      %run_scoped3A = tpu.sem_alloc : memref<!tpu.dma_semaphore, #tpu.memory_space<semaphore_mem>>
      %dma_start3A_57 = arith.constant 0 : i32
      %dma_start3A_58 = tpu.memref_slice %arg9[%arg0, %mul3A_0, %dma_start3A_57] : memref<2x10240x16xf32, #tpu.memory_space<hbm>> -> memref<1x640x16xf32, #tpu.memory_space<hbm>>
      %dma_start3A_59 = tpu.memref_squeeze %dma_start3A_58 : memref<1x640x16xf32, #tpu.memory_space<hbm>> -> memref<640x16xf32, #tpu.memory_space<hbm>>
      %dma_start3A_60 = arith.constant 0 : i32
      %dma_start3A_61 = tpu.memref_slice %arg18[%mul3A_0, %dma_start3A_60] : memref<10240x16xf32, #tpu.memory_space<vmem_shared>> -> memref<640x16xf32, #tpu.memory_space<vmem_shared>>
      tpu.enqueue_dma source(%dma_start3A_61 : memref<640x16xf32, #tpu.memory_space<vmem_shared>>) target(%dma_start3A_59 : memref<640x16xf32, #tpu.memory_space<hbm>>) target_semaphore(%run_scoped3A : memref<!tpu.dma_semaphore, #tpu.memory_space<semaphore_mem>>)
      %dma_wait3A_62 = arith.constant 0 : i32
      %dma_wait3A_63 = tpu.memref_slice %arg9[%arg0, %mul3A_0, %dma_wait3A_62] : memref<2x10240x16xf32, #tpu.memory_space<hbm>> -> memref<1x640x16xf32, #tpu.memory_space<hbm>>
      %dma_wait3A_64 = tpu.memref_squeeze %dma_wait3A_63 : memref<1x640x16xf32, #tpu.memory_space<hbm>> -> memref<640x16xf32, #tpu.memory_space<hbm>>
      %dma_wait3A_65 = arith.constant 0 : i32
      %dma_wait3A_66 = tpu.memref_slice %arg18[%mul3A_0, %dma_wait3A_65] : memref<10240x16xf32, #tpu.memory_space<vmem_shared>> -> memref<640x16xf32, #tpu.memory_space<vmem_shared>>
      tpu.wait_dma2 semaphore(%run_scoped3A : memref<!tpu.dma_semaphore, #tpu.memory_space<semaphore_mem>>) src(%dma_wait3A_66 : memref<640x16xf32, #tpu.memory_space<vmem_shared>>) dst(%dma_wait3A_64 : memref<640x16xf32, #tpu.memory_space<hbm>>)
      tpu.yield
    }) : () -> ()
    return
  }
}

module attributes {stable_mosaic.version = 14 : i64} {
  func.func @body(%arg0: i32, %arg1: memref<2000x128xf32, #tpu.memory_space<vmem>>, %arg2: memref<2x2000x64xbf16, #tpu.memory_space<vmem>>) attributes {dimension_semantics = [#tpu.dimension_semantics<arbitrary>], iteration_bounds = array<i64: 5>, scalar_prefetch = 0 : i64, scratch_operands = 0 : i64, tpu.core_type = #tpu.core_type<tc>, window_params = [{transform_indices = @transform_0, window_bounds = array<i64: 2000, 128>}, {transform_indices = @transform_1, window_bounds = array<i64: 2, 2000, 64>}]} {
    %get3A = arith.constant 0 : index
    %get3A_0 = arith.constant 0 : index
    %get3A_1 = vector.load %arg1[%get3A, %get3A_0] : memref<2000x128xf32, #tpu.memory_space<vmem>>, vector<2000x64xf32>
    %convert_element_type3A = arith.truncf %get3A_1 : vector<2000x64xf32> to vector<2000x64xbf16>
    %swap3A = arith.constant 0 : index
    %swap3A_2 = arith.constant 0 : index
    %swap3A_3 = arith.constant 0 : index
    %swap3A_4 = vector.load %arg2[%swap3A, %swap3A_2, %swap3A_3] : memref<2x2000x64xbf16, #tpu.memory_space<vmem>>, vector<1x2000x64xbf16>
    %swap3A_5 = vector.shape_cast %swap3A_4 : vector<1x2000x64xbf16> to vector<2000x64xbf16>
    %swap3A_6 = vector.shape_cast %convert_element_type3A : vector<2000x64xbf16> to vector<1x2000x64xbf16>
    tpu.vector_store %arg2[%swap3A, %swap3A_2, %swap3A_3], %swap3A_6 {strides = array<i32>} : memref<2x2000x64xbf16, #tpu.memory_space<vmem>>, vector<1x2000x64xbf16>,
    %get3A_7 = arith.constant 0 : index
    %get3A_8 = arith.constant 64 : index
    %get3A_9 = vector.load %arg1[%get3A_7, %get3A_8] : memref<2000x128xf32, #tpu.memory_space<vmem>>, vector<2000x64xf32>
    %convert_element_type3A_10 = arith.truncf %get3A_9 : vector<2000x64xf32> to vector<2000x64xbf16>
    %swap3A_11 = arith.constant 1 : index
    %swap3A_12 = arith.constant 0 : index
    %swap3A_13 = arith.constant 0 : index
    %swap3A_14 = vector.load %arg2[%swap3A_11, %swap3A_12, %swap3A_13] : memref<2x2000x64xbf16, #tpu.memory_space<vmem>>, vector<1x2000x64xbf16>
    %swap3A_15 = vector.shape_cast %swap3A_14 : vector<1x2000x64xbf16> to vector<2000x64xbf16>
    %swap3A_16 = vector.shape_cast %convert_element_type3A_10 : vector<2000x64xbf16> to vector<1x2000x64xbf16>
    tpu.vector_store %arg2[%swap3A_11, %swap3A_12, %swap3A_13], %swap3A_16 {strides = array<i32>} : memref<2x2000x64xbf16, #tpu.memory_space<vmem>>, vector<1x2000x64xbf16>,
    return
  }
  func.func @transform_0(%arg0: i32) -> (i32, i32) {
    %c0_i32 = arith.constant 0 : i32
    %c0_i32_0 = arith.constant 0 : i32
    return %arg0, %c0_i32 : i32, i32
  }
  func.func @transform_1(%arg0: i32) -> (i32, i32, i32) {
    %c0_i32 = arith.constant 0 : i32
    %c0_i32_0 = arith.constant 0 : i32
    %c0_i32_1 = arith.constant 0 : i32
    return %c0_i32, %arg0, %c0_i32_0 : i32, i32, i32
  }
}

module attributes {stable_mosaic.version = 14 : i64} {
  func.func @body(%arg0: i32, %arg1: memref<1000x128xf32, #tpu.memory_space<vmem>>, %arg2: memref<2x1000x64xbf16, #tpu.memory_space<vmem>>, %arg3: memref<2x1000x16xf32, #tpu.memory_space<vmem>>, %arg4: memref<256x128xf32, #tpu.memory_space<vmem>>, %arg5: memref<1x128xf32, #tpu.memory_space<vmem>>, %arg6: memref<1000x128xf32, #tpu.memory_space<vmem>>) attributes {dimension_semantics = [#tpu.dimension_semantics<arbitrary>], iteration_bounds = array<i64: 10>, scalar_prefetch = 0 : i64, scratch_operands = 0 : i64, tpu.core_type = #tpu.core_type<tc>, window_params = [{transform_indices = @transform_0, window_bounds = array<i64: 1000, 128>}, {transform_indices = @transform_1, window_bounds = array<i64: 2, 1000, 64>}, {transform_indices = @transform_2, window_bounds = array<i64: 2, 1000, 16>}, {pipeline_mode = #tpu.pipeline_mode<synchronous>, transform_indices = @transform_3, window_bounds = array<i64: 256, 128>}, {pipeline_mode = #tpu.pipeline_mode<synchronous>, transform_indices = @transform_4, window_bounds = array<i64: 1, 128>}, {transform_indices = @transform_5, window_bounds = array<i64: 1000, 128>}]} {
    %get3A = arith.constant 0 : index
    %get3A_0 = arith.constant 0 : index
    %get3A_1 = vector.load %arg1[%get3A, %get3A_0] : memref<1000x128xf32, #tpu.memory_space<vmem>>, vector<1000x128xf32>
    %get3A_2 = arith.constant 0 : index
    %get3A_3 = arith.constant 0 : index
    %get3A_4 = arith.constant 0 : index
    %get3A_5 = vector.load %arg3[%get3A_2, %get3A_3, %get3A_4] : memref<2x1000x16xf32, #tpu.memory_space<vmem>>, vector<1x1000x1xf32>
    %get3A_6 = vector.shape_cast %get3A_5 : vector<1x1000x1xf32> to vector<1000x1xf32>
    %get3A_7 = arith.constant 1 : index
    %get3A_8 = arith.constant 0 : index
    %get3A_9 = arith.constant 0 : index
    %get3A_10 = vector.load %arg3[%get3A_7, %get3A_8, %get3A_9] : memref<2x1000x16xf32, #tpu.memory_space<vmem>>, vector<1x1000x1xf32>
    %get3A_11 = vector.shape_cast %get3A_10 : vector<1x1000x1xf32> to vector<1000x1xf32>
    %add3A = arith.addf %get3A_6, %get3A_11 : vector<1000x1xf32>
    %max3A = arith.constant 1.000000e+00 : f32
    %max3A_12 = vector.broadcast %max3A : f32 to vector<1000x1xf32>
    %max3A_13 = arith.maximumf %add3A, %max3A_12 : vector<1000x1xf32>
    %get3A_14 = arith.constant 0 : index
    %get3A_15 = arith.constant 0 : index
    %get3A_16 = arith.constant 0 : index
    %get3A_17 = vector.load %arg2[%get3A_14, %get3A_15, %get3A_16] : memref<2x1000x64xbf16, #tpu.memory_space<vmem>>, vector<1x1000x64xbf16>
    %get3A_18 = vector.shape_cast %get3A_17 : vector<1x1000x64xbf16> to vector<1000x64xbf16>
    %convert_element_type3A = arith.extf %get3A_18 : vector<1000x64xbf16> to vector<1000x64xf32>
    %div3A = vector.broadcast %max3A_13 : vector<1000x1xf32> to vector<1000x64xf32>
    %div3A_19 = arith.divf %convert_element_type3A, %div3A : vector<1000x64xf32>
    %get3A_20 = arith.constant 1 : index
    %get3A_21 = arith.constant 0 : index
    %get3A_22 = arith.constant 0 : index
    %get3A_23 = vector.load %arg2[%get3A_20, %get3A_21, %get3A_22] : memref<2x1000x64xbf16, #tpu.memory_space<vmem>>, vector<1x1000x64xbf16>
    %get3A_24 = vector.shape_cast %get3A_23 : vector<1x1000x64xbf16> to vector<1000x64xbf16>
    %convert_element_type3A_25 = arith.extf %get3A_24 : vector<1000x64xbf16> to vector<1000x64xf32>
    %div3A_26 = vector.broadcast %max3A_13 : vector<1000x1xf32> to vector<1000x64xf32>
    %div3A_27 = arith.divf %convert_element_type3A_25, %div3A_26 : vector<1000x64xf32>
    %get3A_28 = arith.constant 0 : index
    %get3A_29 = arith.constant 0 : index
    %get3A_30 = vector.load %arg4[%get3A_28, %get3A_29] : memref<256x128xf32, #tpu.memory_space<vmem>>, vector<128x128xf32>
    %dot_general3A = arith.constant dense<0.000000e+00> : vector<1000x128xf32>
    %dot_general3A_31 = tpu.matmul %get3A_1, %get3A_30, %dot_general3A {dimension_numbers = #tpu.dot_dimension_numbers<[1], [0], [0], [1], [0, 0, 1, 1], [], []>, transpose_lhs_hint = false} : vector<1000x128xf32>, vector<128x128xf32>, vector<1000x128xf32> -> vector<1000x128xf32>
    %get3A_32 = arith.constant 128 : index
    %get3A_33 = arith.constant 0 : index
    %get3A_34 = vector.load %arg4[%get3A_32, %get3A_33] : memref<256x128xf32, #tpu.memory_space<vmem>>, vector<64x128xf32>
    %dot_general3A_35 = arith.constant dense<0.000000e+00> : vector<1000x128xf32>
    %dot_general3A_36 = tpu.matmul %div3A_19, %get3A_34, %dot_general3A_35 {dimension_numbers = #tpu.dot_dimension_numbers<[1], [0], [0], [1], [0, 0, 1, 1], [], []>, transpose_lhs_hint = false} : vector<1000x64xf32>, vector<64x128xf32>, vector<1000x128xf32> -> vector<1000x128xf32>
    %add3A_37 = arith.addf %dot_general3A_31, %dot_general3A_36 : vector<1000x128xf32>
    %get3A_38 = arith.constant 192 : index
    %get3A_39 = arith.constant 0 : index
    %get3A_40 = vector.load %arg4[%get3A_38, %get3A_39] : memref<256x128xf32, #tpu.memory_space<vmem>>, vector<64x128xf32>
    %dot_general3A_41 = arith.constant dense<0.000000e+00> : vector<1000x128xf32>
    %dot_general3A_42 = tpu.matmul %div3A_27, %get3A_40, %dot_general3A_41 {dimension_numbers = #tpu.dot_dimension_numbers<[1], [0], [0], [1], [0, 0, 1, 1], [], []>, transpose_lhs_hint = false} : vector<1000x64xf32>, vector<64x128xf32>, vector<1000x128xf32> -> vector<1000x128xf32>
    %add3A_43 = arith.addf %add3A_37, %dot_general3A_42 : vector<1000x128xf32>
    %get3A_44 = arith.constant 0 : index
    %get3A_45 = arith.constant 0 : index
    %get3A_46 = vector.load %arg5[%get3A_44, %get3A_45] : memref<1x128xf32, #tpu.memory_space<vmem>>, vector<1x128xf32>
    %add3A_47 = vector.broadcast %get3A_46 : vector<1x128xf32> to vector<1000x128xf32>
    %add3A_48 = arith.addf %add3A_43, %add3A_47 : vector<1000x128xf32>
    %mul3A = arith.mulf %add3A_48, %add3A_48 : vector<1000x128xf32>
    %reduce_sum3A = arith.constant dense<0.000000e+00> : vector<1000xf32>
    %reduce_sum3A_49 = vector.multi_reduction <add>, %mul3A, %reduce_sum3A [1] : vector<1000x128xf32> to vector<1000xf32>
    %broadcast_in_dim3A = vector.shape_cast %reduce_sum3A_49 : vector<1000xf32> to vector<1000x1xf32>
    %sqrt3A = math.sqrt %broadcast_in_dim3A : vector<1000x1xf32>
    %max3A_50 = arith.constant 9.99999996E-13 : f32
    %max3A_51 = vector.broadcast %max3A_50 : f32 to vector<1000x1xf32>
    %max3A_52 = arith.maximumf %sqrt3A, %max3A_51 : vector<1000x1xf32>
    %div3A_53 = vector.broadcast %max3A_52 : vector<1000x1xf32> to vector<1000x128xf32>
    %div3A_54 = arith.divf %add3A_48, %div3A_53 : vector<1000x128xf32>
    %max3A_55 = arith.constant 0.000000e+00 : f32
    %max3A_56 = vector.broadcast %max3A_55 : f32 to vector<1000x128xf32>
    %max3A_57 = arith.maximumf %div3A_54, %max3A_56 : vector<1000x128xf32>
    %add3A_58 = arith.addf %get3A_1, %max3A_57 : vector<1000x128xf32>
    %swap3A = arith.constant 0 : index
    %swap3A_59 = arith.constant 0 : index
    %swap3A_60 = vector.load %arg6[%swap3A, %swap3A_59] : memref<1000x128xf32, #tpu.memory_space<vmem>>, vector<1000x128xf32>
    tpu.vector_store %arg6[%swap3A, %swap3A_59], %add3A_58 {strides = array<i32>} : memref<1000x128xf32, #tpu.memory_space<vmem>>, vector<1000x128xf32>,
    return
  }
  func.func @transform_0(%arg0: i32) -> (i32, i32) {
    %c0_i32 = arith.constant 0 : i32
    %c0_i32_0 = arith.constant 0 : i32
    return %arg0, %c0_i32 : i32, i32
  }
  func.func @transform_1(%arg0: i32) -> (i32, i32, i32) {
    %c0_i32 = arith.constant 0 : i32
    %c0_i32_0 = arith.constant 0 : i32
    %c0_i32_1 = arith.constant 0 : i32
    return %c0_i32, %arg0, %c0_i32_0 : i32, i32, i32
  }
  func.func @transform_2(%arg0: i32) -> (i32, i32, i32) {
    %c0_i32 = arith.constant 0 : i32
    %c0_i32_0 = arith.constant 0 : i32
    %c0_i32_1 = arith.constant 0 : i32
    return %c0_i32, %arg0, %c0_i32_0 : i32, i32, i32
  }
  func.func @transform_3(%arg0: i32) -> (i32, i32) {
    %c0_i32 = arith.constant 0 : i32
    %c0_i32_0 = arith.constant 0 : i32
    %c0_i32_1 = arith.constant 0 : i32
    return %c0_i32, %c0_i32_0 : i32, i32
  }
  func.func @transform_4(%arg0: i32) -> (i32, i32) {
    %c0_i32 = arith.constant 0 : i32
    %c0_i32_0 = arith.constant 0 : i32
    %c0_i32_1 = arith.constant 0 : i32
    return %c0_i32, %c0_i32_0 : i32, i32
  }
  func.func @transform_5(%arg0: i32) -> (i32, i32) {
    %c0_i32 = arith.constant 0 : i32
    %c0_i32_0 = arith.constant 0 : i32
    return %arg0, %c0_i32 : i32, i32
  }
}

</mosaic_0001>

<sc_bundles>
// kernel: kernel.5.cloned.1.call-start
scs
__scs_entry_jumppad:
0x0: {  	(pc) =	sbr.rel $0x88, $3  }
0x1: {  	(tag) =	ssettag $0x0;
	lr =	simm.s32 $0x1  }
0x2: {  	[smem:$0x3F9D] =	sst lr;
	_ =	strace $0xD0000000  }
0x3: {  	_ = 	snop  }
0x4: {  	_ = 	snop  }
0x5: {  	_ = 	snop  }
0x6: {  	_ = 	snop  }
0x7: {  	_ = 	snop  }
__scs_overlays_trampoline_lowered:
0x8: {  	[smem:$0x3FAC] =	sst s0  }
0x9: {  	[smem:$0x3FAD] =	sst s1  }
0xa: {  	[smem:$0x3FAE] =	sst s2  }
0xb: {  	[smem:$0x3FAF] =	sst s3  }
0xc: {  	[smem:$0x3FB0] =	sst s4  }
0xd: {  	[smem:$0x3FB1] =	sst s5  }
0xe: {  	[smem:$0x3FB2] =	sst s6  }
0xf: {  	[smem:$0x3FB3] =	sst s7  }
0x10: {  	[smem:$0x3FB4] =	sst s8  }
0x11: {  	[smem:$0x3FB5] =	sst s9;
	s0 =	simm.s32 @!p0 $0x0  }
0x12: {  	s1 =	sld [smem:$0x3F9B];
	s0 =	simm.s32 @p0 $0x1  }
0x13: {  	[smem:$0x3FB6] =	sst s0;
	s0 =	simm.s32 @!p1 $0x0  }
0x14: {  	s2 =	sld [smem:$0x3F9A];
	s0 =	simm.s32 @p1 $0x1  }
0x15: {  	[smem:$0x3FB7] =	sst s0;
	s0 =	simm.s32 @!p2 $0x0  }
0x16: {  	s3 =	sld [smem:$0x3FDB];
	s0 =	simm.s32 @p2 $0x1  }
0x17: {  	s4 =	simm.s32 $0x1BF5;
	[smem:$0x3FB9] =	sst s0  }
0x18: {  	s0 =	sld [smem:$0x3F9C];
	_ =	swait.ge [sflag:s4], $0x0  }
0x19: {  	s7 =	sld [smem:$0x3F9D]  }
0x1a: {  	s8 =	sadd.s32 $0xFFFFE003, lr  }
0x1b: {  	s9 =	sadd.s32 $0xFFFFFEF7, lr;
	s5 =	simm.s32 $0xFFFFFFFF;
	p2 =	slt.u32 s8, $0xFFFFF086  }
0x1c: {  	p1 =	slt.u32 s9, $0xF7A;
	s5 =	simm.s32 @!p2 $0x0  }
0x1d: {  	s5 =	simm.s32 @p1 $0x1;
	p0 =	seq.s32 s7, s2  }
0x1e: {  	s7 =	smul.u32 @!p0 $0xF7A, s2;
	p2 =	seq.s32 @!p0 s5, $0x0  }
0x1f: {  	s9 =	smul.u32 $0xF7A, s1;
	s8 =	simm.s32 @!p0 $0x1BF5;
	p2 =	por !p2, p0  }
0x20: {  	[sflag:s8] =	ssyncset.s32 @!p0 $0xFFFFF086;
	s6 =	sadd.s32 @!p0 s3, s7;
	s7 =	simm.s32 @!p0 $0x108  }
0x21: {  	s3 =	sadd.s32 s3, s9;
	s6 =	sadd.s32 @!p0 $0x88, s6;
	s7 =	simm.s32 @p2 $0x1082  }
0x22: {  	[simem:s7], [sflag:s8] =	dma.local @!p0 [hbm:s6], $0xF7A  }
0x23: {  	s9 =	sor.u32 $0xD0000000, s2;
	s6 =	simm.s32 $0x108;
	_ =	swait.ge @!p0 [sflag:s8], $0x0  }
0x24: {  	s3 =	sadd.s32 $0x88, s3;
	s6 =	simm.s32 @!p1 $0x1082;
	[sflag:s4] =	ssyncset.s32 $0xFFFFF086  }
0x25: {  	[simem:s6], [sflag:s4] =	dma.local [hbm:s3], $0xF7A  }
0x26: {  	[smem:$0x3F9D] =	sst s1;
	(tag) =	ssettag s2;
	_ =	strace s9  }
0x27: {  	s1 =	sld [smem:$0x3FAD]  }
0x28: {  	s2 =	sld [smem:$0x3FAE]  }
0x29: {  	s4 =	sld [smem:$0x3FB0]  }
0x2a: {  	p0 =	seq.s32 s5, $0x0;
	s5 =	sld [smem:$0x3FB1]  }
0x2b: {  	s6 =	sld [smem:$0x3FB2]  }
0x2c: {  	s7 =	sld [smem:$0x3FB3]  }
0x2d: {  	s3 =	simm.s32 $0x108;
	s8 =	sld [smem:$0x3FB4]  }
0x2e: {  	s3 =	simm.s32 @!p0 $0x1082;
	s9 =	sld [smem:$0x3FB5]  }
0x2f: {  	lr =	sadd.s32 s0, s3;
	s0 =	sld [smem:$0x3FAC]  }
0x30: {  	s3 =	sld [smem:$0x3FAF]  }
0x31: {  	[smem:$0x3FB8] =	sst s10  }
0x32: {  	s10 =	sld [smem:$0x3FB6];
	_ =	sdelay $0x3  }
0x33: {  	p0 =	seq.s32 s10, $0x1;
	s10 =	sld [smem:$0x3FB8];
	_ =	sdelay $0x3  }
0x34: {  	[smem:$0x3FB8] =	sst s10  }
0x35: {  	s10 =	sld [smem:$0x3FB7];
	_ =	sdelay $0x3  }
0x36: {  	p1 =	seq.s32 s10, $0x1;
	s10 =	sld [smem:$0x3FB8];
	_ =	sdelay $0x3  }
0x37: {  	[smem:$0x3FB8] =	sst s10  }
0x38: {  	s10 =	sld [smem:$0x3FB9]  }
0x39: {  	_ = 	snop;
	(pc) =	sbr.ind lr, $3  }
0x3a: {  	_ = 	snop  }
0x3b: {  	_ = 	snop  }
0x3c: {  	p2 =	seq.s32 s10, $0x1;
	s10 =	sld [smem:$0x3FB8]  }
0x3d: {  	_ =	shalt  }
0x3e: {  	_ =	shalt  }
0x3f: {  	_ =	shalt  }
0x40: {  	_ =	shalt  }
0x41: {  	_ =	shalt  }
0x42: {  	_ =	shalt  }
0x43: {  	_ =	shalt  }
0x44: {  	_ =	shalt  }
0x45: {  	_ =	shalt  }
0x46: {  	_ =	shalt  }
0x47: {  	_ =	shalt  }
0x48: {  	_ =	shalt  }
0x49: {  	_ =	shalt  }
0x4a: {  	_ =	shalt  }
0x4b: {  	_ =	shalt  }
0x4c: {  	_ =	shalt  }
0x4d: {  	_ =	shalt  }
0x4e: {  	_ =	shalt  }
0x4f: {  	_ =	shalt  }
0x50: {  	_ =	shalt  }
0x51: {  	_ =	shalt  }
0x52: {  	_ =	shalt  }
0x53: {  	_ =	shalt  }
0x54: {  	_ =	shalt  }
0x55: {  	_ =	shalt  }
0x56: {  	_ =	shalt  }
0x57: {  	_ =	shalt  }
0x58: {  	_ =	shalt  }
0x59: {  	_ =	shalt  }
0x5a: {  	_ =	shalt  }
0x5b: {  	_ =	shalt  }
0x5c: {  	_ =	shalt  }
0x5d: {  	_ =	shalt  }
0x5e: {  	_ =	shalt  }
0x5f: {  	_ =	shalt  }
0x60: {  	_ =	shalt  }
0x61: {  	_ =	shalt  }
0x62: {  	_ =	shalt  }
0x63: {  	_ =	shalt  }
0x64: {  	_ =	shalt  }
0x65: {  	_ =	shalt  }
0x66: {  	_ =	shalt  }
0x67: {  	_ =	shalt  }
0x68: {  	_ =	shalt  }
0x69: {  	_ =	shalt  }
0x6a: {  	_ =	shalt  }
0x6b: {  	_ =	shalt  }
0x6c: {  	_ =	shalt  }
0x6d: {  	_ =	shalt  }
0x6e: {  	_ =	shalt  }
0x6f: {  	_ =	shalt  }
0x70: {  	_ =	shalt  }
0x71: {  	_ =	shalt  }
0x72: {  	_ =	shalt  }
0x73: {  	_ =	shalt  }
0x74: {  	_ =	shalt  }
0x75: {  	_ =	shalt  }
0x76: {  	_ =	shalt  }
0x77: {  	_ =	shalt  }
0x78: {  	_ =	shalt  }
0x79: {  	_ =	shalt  }
0x7a: {  	_ =	shalt  }
0x7b: {  	_ =	shalt  }
0x7c: {  	_ =	shalt  }
0x7d: {  	_ =	shalt  }
0x7e: {  	_ =	shalt  }
0x7f: {  	_ =	shalt  }
0x80: {  	_ =	shalt  }
0x81: {  	_ =	shalt  }
0x82: {  	_ =	shalt  }
0x83: {  	_ =	shalt  }
0x84: {  	_ =	shalt  }
0x85: {  	_ =	shalt  }
0x86: {  	_ =	shalt  }
0x87: {  	_ =	shalt  }
.Lfunc_end0:
.L_simem_size_0:
called_computation_lowered:
.L_overlay_start_0:
0x88: {  	s2 =	sld [smem:$0x3FD9]  }
0x89: {  	s3 =	sld [smem:$0x3FFE];
	_ =	sdelay $0x1  }
0x8a: {  	s1 =	srdreg.scid  }
0x8b: {  	s0 =	sand.u32 $0x1, s1  }
0x8c: {  	s17 =	sshll.u32 s0, $0xA;
	s2 =	sadd.s32 s3, s2  }
0x8d: {  	s2 =	sadd.s32 s2, s17  }
0x8e: {  	[smem:$0x3FC4] =	sst s2  }
0x8f: {  	_ = 	snop  }
0x90: {  	s2 =	sld [smem:$0x3FD0];
	(tm) =	ssettm $0x1  }
0x91: {  	s18 =	sld [smem:$0x3FFB];
	_ =	sdelay $0x3  }
0x92: {  	_ =	strace s18  }
0x93: {  	s3 =	sld [smem:$0x3FFC];
	_ =	sdelay $0x3  }
0x94: {  	_ =	strace s3  }
0x95: {  	s3 =	sld [smem:$0x3FFD];
	_ =	sdelay $0x3  }
0x96: {  	_ =	strace s3  }
0x97: {  	_ =	strace $0x8FFFFFFF  }
0x98: {  	s19 =	sld [smem:$0x3FDB];
	_ =	sdelay $0x1  }
0x99: {  	s4 =	simm.s32 $_scs_section_size  }
0x9a: {  	s5 =	simm.s32 $_size__tile_overlayer_lowered;
	s6 =	simm.s32 $_tile_overlayer_lowered  }
0x9b: {  	s22 =	simm.s32 $0x1BFF;
	s21 =	sshll.u32 s6, $0x1;
	s3 =	sadd.s32 s4, s19  }
0x9c: {  	s7 =	simm.s32 $0x0;
	s20 =	sshll.u32 s5, $0x1;
	s5 =	sadd.s32 s21, s3  }
0x9d: {  	[timem:s7], [sflag:s22] =	dma.local [hbm:s5], s20  }
0x9e: {  	_ =	swait.ge [sflag:s22], s20  }
0x9f: {  	s4 =	ssub.s32 $0x0, s20;
	[sflag:s22] =	ssyncset.done $0x0  }
0xa0: {  	[sflag:s22] =	ssyncadd.s32 s4;
	_ =	sdelay $0x1  }
0xa1: {  	s23 =	simm.s32 $0x1B8B  }
0xa2: {  	_ =	swait.ge [sflag:s23], $0x1  }
0xa3: {  	[sflag:s23] =	ssyncset.done $0x0  }
0xa4: {  	s25 =	simm.s32 $0x1B8E;
	s24 =	sld [smem:$0x3FFE];
	[sflag:s23] =	ssyncadd.s32 $0xFFFFFFFF  }
0xa5: {  	s26 =	simm.s32 $execute0_lowered;
	[smem:$0x3FD2] =	sst s25  }
0xa6: {  	s5 =	sshll.u32 s26, $0x1;
	_ =	strace $0x80000046;
	[dreg:$0x1] =	wrdreg $0xFFFFFFFF  }
0xa7: {  	s28 =	simm.s32 $_size_execute0_lowered;
	s3 =	sadd.s32 s3, s5;
	[dreg:$0x0] =	wrdreg $0x0  }
0xa8: {  	s5 =	sshll.u32 s28, $0x1;
	[dreg:$0x2] =	wrdreg s3  }
0xa9: {  	[dreg:$0x3] =	wrdreg s5  }
0xaa: {  	[dreg:$0x4] =	wrdreg $0xC0  }
0xab: {  	_ =	task [dreg:s7], $0x5FFFF  }
0xac: {  	[dreg:$0x1] =	wrdreg $0xFFFFFFFF  }
0xad: {  	[dreg:$0x0] =	wrdreg $0x60  }
0xae: {  	[dreg:$0x2] =	wrdreg s24  }
0xaf: {  	[dreg:$0x3] =	wrdreg s2  }
0xb0: {  	[dreg:$0x4] =	wrdreg $0xD6B00  }
0xb1: {  	[dreg:$0x5] =	wrdreg $0x126B00  }
0xb2: {  	[dreg:$0x6] =	wrdreg $0x9  }
0xb3: {  	_ =	task.clear_ibuf [dreg:s7], $0x7FFFF;
	_ =	strace $0x90000046  }
0xb4: {  	s29 =	simm.s32 $0x9;
	_ =	strace $0x80000048  }
0xb5: {  	_ =	swait.ge [sflag:s29], $0x1  }
0xb6: {  	[sflag:s29] =	ssyncadd.s32 $0xFFFFFFFF  }
0xb7: {  	_ =	strace $0x90000048  }
0xb8: {  	_ =	sfence  }
0xb9: {  	s30 =	sld [smem:$0x0];
	_ =	sdelay $0x2  }
0xba: {  	s31 =	sshll.u32 s1, $0xD;
	s1 =	sshrl.u32 s1, $0x2  }
0xbb: {  	s3 =	sand.u32 $0x4000, s31;
	s1 =	sadd.s32 s1, s30  }
0xbc: {  	s0 =	sor.u32 s3, s0;
	s1 =	sshll.u32 s1, $0x11  }
0xbd: {  	s0 =	sor.u32 s1, s0  }
0xbe: {  	s0 =	sadd.s32 $0x8F2B, s0  }
0xbf: {  	[sflag:s0] =	ssyncadd.remote.s32 $0x1  }
0xc0: {  	_ =	sfence.sel $0xFFFF  }
0xc1: {  	[dreg:$0x0] =	wrdreg $0xFFFFFFFF;
	(pc) =	sbr.abs _section_cstart, $3  }
0xc2: {  	[dreg:$0x1] =	wrdreg $0xFFFFFFFF  }
0xc3: {  	_ =	task.clear_ibuf [dreg:s7], $0x2FFFF;
	_ =	strace $0x9FFFFFFF  }
0xc4: {  	(tm) =	ssettm $0x7FFFFFFF  }
0xc5: {  	_ =	shalt  }
tec
execute0_lowered:
.L_overlay_start_1:
0x0: {  	(tag) =	ssettag $0x1  }
0x1: {  	s9 =	rddreg [dreg:$0x0]  }
0x2: {  	s12 =	rddreg [dreg:$0x1]  }
0x3: {  	s1 =	rddreg [dreg:$0x2];
	s0 =	srdreg.scid  }
0x4: {  	s3 =	rddreg [dreg:$0x3];
	s2 =	stileid.u32  }
0x5: {  	s5 =	simm.s32 $0x0;
	s21 =	simm.s32 $0xA000;
	s22 =	simm.s32 $0x1  }
0x6: {  	s23 =	simm.s32 $0x2;
	s24 =	simm.s32 $0x3;
	s7 =	smul.u32 $0xA00, s2  }
0x7: {  	s4 =	sand.u32 $0x1, s0;
	s0 =	rddreg [dreg:$0x4];
	s11 =	smul.u32 $0x2800, s2  }
0x8: {  	s25 =	simm.s32 $0x0;
	[smem:$0x7FF] =	sst s5;
	s16 =	smul.u32 $0xA000, s2  }
0x9: {  	s8 =	sadd.s32 $0x29200, s9;
	s31 =	sshll.u32 s2, $0x6;
	s6 =	smul.u32 $0x9C40, s4  }
0xa: {  	_ =	strace $0x80000047;
	s10 =	smul.u32 $0x28000, s4;
	s15 =	ssub.s32 $0x2, s4  }
0xb: {  	s18 =	smul.u32 $0xA0000, s4;
	s14 =	sadd.s32 s7, s9;
	s7 =	sadd.s32 $0x29400, s9  }
0xc: {  	s28 =	sshrl.u32 s15, $0x1;
	s19 =	sshrl.u32 s16, $0x1;
	s20 =	sadd.s32 s11, s3  }
0xd: {  	s13 =	sadd.s32 s6, s9;
	s6 =	sadd.s32 $0xE00, s9;
	s10 =	sadd.s32 s11, s10  }
0xe: {  	s15 =	ssub.s32 s15, s28;
	s19 =	sadd.s32 s19, s1;
	s29 =	sadd.s32 s16, s18  }
0xf: {  	s16 =	simm.s32 $0xCEE0;
	s10 =	sshrl.u32 s10, $0x3;
	s11 =	sadd.s32 $0x15800, s13  }
0x10: {  	s30 =	sshrl.u32 s29, $0x4;
	s18 =	sshrl.u32 s19, $0x3;
	s19 =	sshrl.u32 s20, $0x3  }
0x11: {  	s20 =	simm.s32 $0x7D;
	s17 =	sadd.s32 s10, s9;
	s9 =	sadd.s32 $0xB800, s14  }
0x12: {  	s10 =	sadd.s32 $0x1800, s14;
	s12 =	sadd.s32 s12, s30;
	s14 =	smax.u32 s15, $0x1  }
0x13: {  	s15 =	simm.s32 $0x4;
	s13 =	sadd.s32 $0x29A00, s17;
	s17 =	sor.u32 $0x1C04, s31  }
.LBB2_1:
0x14: {  	[tilespmem:s5], [sflag:$0x4] =	stream.linear.gather [hbm4b:s9+s5], $0x5000, $0x38;
	[tilespmem:$0x14EB0] =	vst v63  }
0x15: {  	_ =	swait.ge [sflag:s15], $0x5000  }
0x16: {  	[sflag:s15] =	ssyncset.done $0x0  }
0x17: {  	s26 =	simm.s32 $0x5000;
	[sflag:s15] =	ssyncadd.s32 $0xFFFFB000  }
0x18: {  	[tilespmem:s26], [sflag:$0x4] =	stream.linear.gather [hbm4b:s10+s5], $0x5000, $0x38;
	[tilespmem:$0x14EB0] =	vst v63  }
0x19: {  	_ =	swait.ge [sflag:s15], $0x5000  }
0x1a: {  	[sflag:s15] =	ssyncset.done $0x0  }
0x1b: {  	[sflag:s15] =	ssyncadd.s32 $0xFFFFB000  }
0x1c: {  	[tilespmem:s16], [sflag:$0x4] =	stream.linear.gather [hbm4b:s8+s5], $0x7D0, $0x38;
	[tilespmem:$0x14EB0] =	vst v63  }
0x1d: {  	_ =	swait.ge [sflag:s15], $0x7D0  }
0x1e: {  	[sflag:s15] =	ssyncset.done $0x0  }
0x1f: {  	[sflag:s15] =	ssyncadd.s32 $0xFFFFF830  }
0x20: {  	[spmem:s18], [sflag:s17] =	dma.local [hbm:s6], $0xA00  }
0x21: {  	_ =	swait.ge [sflag:s15], $0xA00  }
0x22: {  	[sflag:s15] =	ssyncset.done $0x0  }
0x23: {  	[sflag:s15] =	ssyncadd.s32 $0xFFFFF600  }
0x24: {  	[spmem:s19], [sflag:s17] =	dma.local [hbm:s7], $0x500  }
0x25: {  	_ =	swait.ge [sflag:s15], $0x500  }
0x26: {  	[sflag:s15] =	ssyncset.done $0x0  }
0x27: {  	[sflag:s15] =	ssyncadd.s32 $0xFFFFFB00  }
0x28: {  	s28 =	simm.s32 $0x80;
	s29 =	simm.s32 $0x0;
	[bflag:$0x0] =	sbarrier.arrive $0xFFFF  }
0x29: {  	[tilespmem:s21], [sflag:$0x1] =	stream.indirect.gather [hbm4b:s11+s20], $0x20, s5, s20, $0xb8;
	[tilespmem:$0x14EB0] =	vst v63  }
.LBB2_2:
0x2a: {  	p0 =	slt.u32 s29, $0x2  }
0x2b: {  	s30 =	simm.s32 @!p0 $0x2  }
0x2c: {  	p1 =	seq.s32 @!p0 s29, $0x9F;
	_ =	swait.ge @!p0 [sflag:s30], $0xFA0  }
0x2d: {  	p1 =	por p0, !p1;
	[sflag:s30] =	ssyncset.done @!p0 $0x0  }
0x2e: {  	[sflag:s30] =	ssyncadd.s32 @!p0 $0xFFFFF060;
	s30 =	sadd.s32 @p1 $0x1, s29  }
0x2f: {  	s31 =	sand.u32 @p1 $0xFF, s30  }
0x30: {  	s31 =	smul.u32 @p1 $0xAB, s31;
	_ =	sdelay $0x1  }
0x31: {  	s31 =	sshrl.u32 @p1 s31, $0x9  }
0x32: {  	s31 =	smul.u32 @p1 $0x3, s31;
	_ =	sdelay $0x1  }
0x33: {  	s30 =	ssub.s32 @p1 s30, s31  }
0x34: {  	s30 =	sand.u32 @p1 $0xFF, s30  }
0x35: {  	s30 =	smul.u32 @p1 $0x3E80, s30;
	_ =	sdelay $0x1  }
0x36: {  	s30 =	sshrl.u32 @p1 s30, $0x2  }
0x37: {  	s31 =	smul.u32 $0xAB, s29;
	s30 =	sadd.s32 @p1 $0xA000, s30  }
0x38: {  	[tilespmem:s30], [sflag:$0x1] =	stream.indirect.gather @p1 [hbm4b:s11+s20], $0x20, s28, s20, $0xb8;
	[tilespmem:$0x14EB0] =	vst v63  }
0x39: {  	s30 =	sshrl.u32 s31, $0x9  }
0x3a: {  	s30 =	sand.u32 $0x7F, s30  }
0x3b: {  	s30 =	smul.u32 $0x3, s30;
	_ =	sdelay $0x1  }
0x3c: {  	s30 =	ssub.s32 s29, s30  }
0x3d: {  	s30 =	sand.u32 $0xFF, s30  }
0x3e: {  	s30 =	smul.u32 $0x3E80, s30  }
0x3f: {  	_ =	swait.ge [sflag:s22], $0xFA0  }
0x40: {  	s31 =	sand.u32 $0x1, s29;
	[sflag:s22] =	ssyncset.done $0x0;
	s30 =	sshrl.u32 s30, $0x2  }
0x41: {  	p0 =	sne.s32 s31, s4;
	[sflag:s22] =	ssyncadd.s32 $0xFFFFF060;
	s30 =	sadd.s32 $0xA000, s30  }
0x42: {  	[spmem:s1] =	stream.indirect.scatter.add.bf16 [tilespmem:s30], [sflag:$0x2], $0x20, s26, s20, $0xb8;
	[tilespmem:$0x14EB0] =	vst v63  }
0x43: {  	s31 =	simm.s32 @!p0 $0xCEE0;
	s29 =	sadd.s32 $0x1, s29;
	s30 =	simm.s32 @!p0 $0x7D  }
0x44: {  	[spmem:s3] =	stream.indirect.scatter.add.f32 @!p0 [tilespmem:s31], [sflag:$0x3], $0x10, s26, s30, $0xb8;
	[tilespmem:$0x14EB0] =	vst v63  }
0x45: {  	p0 =	sne.s32 s29, $0xA0  }
.Ltmp0:
0x46: {  	_ = 	snop;
	(pc) =	sbr.rel @p0 .LBB2_2-.Ltmp0, $2  }
0x47: {  	_ =	sdelay $0x2  }
0x48: {  	s28 =	sadd.s32 $0x80, s28;
	s26 =	sadd.s32 $0x80, s26  }
0x49: {  	_ =	swait.ge [sflag:s23], $0xFA0  }
0x4a: {  	[sflag:s23] =	ssyncset.done $0x0  }
0x4b: {  	[sflag:s23] =	ssyncadd.s32 $0xFFFFF060  }
0x4c: {  	_ =	swait.ge [sflag:s23], $0xFA0  }
0x4d: {  	[sflag:s23] =	ssyncset.done $0x0  }
0x4e: {  	[sflag:s23] =	ssyncadd.s32 $0xFFFFF060  }
0x4f: {  	_ =	swait.ge [sflag:s24], $0x7D0  }
0x50: {  	s26 =	simm.s32 $0x4F;
	[sflag:s24] =	ssyncset.done $0x0  }
.LBB2_4:
0x51: {  	p0 =	sne.s32 s26, $0x1;
	s26 =	sadd.s32 $0xFFFFFFFF, s26;
	[sflag:s24] =	ssyncadd.s32 $0xFFFFF830  }
.Ltmp1:
0x52: {  	(pc) =	sbr.rel @p0 .LBB2_4-.Ltmp1, $3  }
0x53: {  	_ =	sdelay $0x1  }
0x54: {  	_ =	swait.ge [sflag:s24], $0x7D0  }
0x55: {  	[sflag:s24] =	ssyncset.done $0x0  }
0x56: {  	[sflag:s24] =	ssyncadd.s32 $0xFFFFF830  }
0x57: {  	[bflag:$0x0] =	sbarrier.arrive $0xFFFF  }
0x58: {  	[hbm:s12], [sflag:s17] =	dma.local [spmem:s18], $0xA00  }
0x59: {  	s25 =	sadd.s32 $0x1, s25;
	_ =	swait.ge [sflag:s15], $0xA00  }
0x5a: {  	p0 =	sne.s32 s25, s14;
	[sflag:s15] =	ssyncset.done $0x0  }
.Ltmp2:
0x5b: {  	[sflag:s15] =	ssyncadd.s32 $0xFFFFF600;
	(pc) =	sbr.rel @p0 .LBB2_1-.Ltmp2, $4  }
0x5c: {  	[hbm:s13], [sflag:s17] =	dma.local [spmem:s19], $0x500  }
0x5d: {  	_ =	swait.ge [sflag:s15], $0x500  }
0x5e: {  	[sflag:s15] =	ssyncset.done $0x0  }
0x5f: {  	[sflag:s15] =	ssyncadd.s32 $0xFFFFFB00  }
0x60: {  	_ =	sfence.sel $0x180000  }
0x61: {  	[bflag:$0x0] =	sbarrier.arrive $0xFFFF  }
0x62: {  	p0 =	sne.s32 s2, $0x0;
	_ =	strace $0x90000047  }
0x63: {  	s0 =	sadd.s32 @!p0 $0x100000, s0;
	[bflag:$0x2] =	sbarrier.arrive $0xFFFF  }
0x64: {  	[sflag:s0] =	ssyncadd.tile.s32 @!p0 $0x1;
	_ =	shalt  }
.Lfunc_end2:
_tile_overlayer_lowered:
.L_overlay_start_2:
0x65: {  	(tag) =	ssettag $0x2  }
0x66: {  	s0 =	rddreg [dreg:$0x0];
	s2 =	stileid.u32  }
0x67: {  	s1 =	rddreg [dreg:$0x1];
	p0 =	sne.s32 s2, $0x0  }
0x68: {  	s3 =	rddreg [dreg:$0x2];
	[bflag:$0x3] =	sbarrier.arrive $0xFFFF;
	s2 =	simm.s32 @!p0 $0x1C04  }
0x69: {  	[timem:s3], [sflag:s2] =	dma.local @!p0 [hbm:s0], s1  }
0x6a: {  	s0 =	simm.s32 @!p0 $0x4  }
0x6b: {  	_ =	swait.ge @!p0 [sflag:s0], s1  }
0x6c: {  	s1 =	ssub.s32 @!p0 $0x0, s1;
	[sflag:s0] =	ssyncset.done @!p0 $0x0  }
0x6d: {  	[sflag:s0] =	ssyncadd.s32 @!p0 s1  }
0x6e: {  	[bflag:$0x3] =	sbarrier.arrive $0xFFFF  }
0x6f: {  	_ =	shalt  }

</sc_bundles>
